<compile_context>
chip_gen: v7x
topology: tpu7x:2x2x1
jax: 0.10.2.dev20260603
libtpu: 0.0.44.dev20260713+nightly
codegen_flags: <defaults>
</compile_context>

<pallas_src>
import functools

import jax
import jax.numpy as jnp
from jax import lax
from jax.experimental import pallas as pl
from jax.experimental.pallas import tpu as pltpu
from jax.experimental.pallas import tpu_sc as plsc

_GRID = 2
_NS = 2
_B = 16384
_NW = 32
_TPW = _B // _NW


def _tc_body(x0_ref, x1_ref, w1_ref, w2_ref, w3r_ref, w3a_ref, bc_ref, o_ref):
    i = pl.program_id(0)
    wcat = jnp.concatenate(
        [w1_ref[...], w2_ref[...], w3r_ref[...], w3a_ref[...]], axis=0)
    bias = jnp.concatenate(
        [jnp.full((1, 1), bc_ref[k], jnp.float32) for k in range(15)]
        + [jnp.zeros((1, 1), jnp.float32)], axis=0)
    for s, x_ref in enumerate((x0_ref, x1_ref)):
        n = x_ref.shape[1]
        lt = jnp.dot(wcat, x_ref[...],
                     preferred_element_type=jnp.float32)
        lt = jnp.concatenate([lt, jnp.zeros((1, n), jnp.float32)], axis=0)
        lt = lt + bias
        base = (i * _NS + s) * n
        o_ref[:, pl.ds(base, n)] = lt


def _logits(x, W1, b1, W2, b2, W3r, b3r, W3a, b3a):
    batch = x.shape[0]
    d = x.size // batch
    xt = jnp.transpose(x, (1, 2, 3, 0)).reshape(d, batch)
    bc = jnp.concatenate([b1, b2, b3r, b3a], axis=0)
    bs = batch // (_GRID * _NS)
    return pl.pallas_call(
        _tc_body,
        grid=(_GRID,),
        in_specs=[
            pl.BlockSpec((d, bs), lambda i: (0, _NS * i)),
            pl.BlockSpec((d, bs), lambda i: (0, _NS * i + 1)),
            pl.BlockSpec((2, d), lambda i: (0, 0)),
            pl.BlockSpec((3, d), lambda i: (0, 0)),
            pl.BlockSpec((8, d), lambda i: (0, 0)),
            pl.BlockSpec((2, d), lambda i: (0, 0)),
            pl.BlockSpec(memory_space=pltpu.SMEM),
        ],
        out_specs=pl.BlockSpec((16, batch), lambda i: (0, 0)),
        out_shape=jax.ShapeDtypeStruct((16, batch), jnp.float32),
    )(xt, xt, W1.T, W2.T, W3r.T, W3a.T, bc)


def _sc_route(lt_hbm, out_hbm, lt_v, out_v):
    wid = lax.axis_index("s") * 2 + lax.axis_index("c")
    base = wid * _TPW
    pltpu.sync_copy(lt_hbm.at[:, pl.ds(base, _TPW)], lt_v)

    def step(j, carry):
        sl = pl.ds(j * 16, 16)

        def row(k):
            return lt_v[k, sl]

        part = row(1) > row(0)
        bv = row(2)
        zero = jnp.zeros((16,), jnp.int32)
        bi = zero
        t = row(3) > bv
        bi = jnp.where(t, 1, bi)
        bv = jnp.where(t, row(3), bv)
        t = row(4) > bv
        bi = jnp.where(t, 2, bi)
        rv = row(5)
        ri = zero
        for k in range(1, 8):
            t = row(5 + k) > rv
            ri = jnp.where(t, k, ri)
            rv = jnp.where(t, row(5 + k), rv)
        a0 = row(13) >= row(14)
        branch = jnp.where(bi == 0, 3,
                           jnp.where(bi == 1, ri + 1, jnp.where(a0, 4, 6)))
        out_v[sl] = jnp.where(part, branch, 0).astype(jnp.int32)
        return carry

    lax.fori_loop(0, _TPW // 16, step, 0)
    pltpu.sync_copy(out_v, out_hbm.at[pl.ds(base, _TPW)])


def kernel(x, W1, b1, W2, b2, W3r, b3r, W3a, b3a):
    lt = _logits(x, W1, b1, W2, b2, W3r, b3r, W3a, b3a)
    sck = functools.partial(
        pl.kernel,
        mesh=plsc.VectorSubcoreMesh(core_axis_name="c", subcore_axis_name="s"),
        out_type=jax.ShapeDtypeStruct((_B,), jnp.int32),
        scratch_types=[
            pltpu.VMEM((16, _TPW), jnp.float32),
            pltpu.VMEM((_TPW,), jnp.int32),
        ],
    )(_sc_route)
    return sck(lt)

# --- scband reference (transcript-rebuilt; emitter-appended) ---
"""Pipeline reference for scband-pipeline-v7-16724602650974 (READ-ONLY COPY).

The authoritative reference and input builder live on the scoring server;
editing this copy changes nothing except your own understanding.
"""

import jax, jax.numpy as jnp
import numpy as np

B = 16384
D = 256

def setup_inputs(seed: int = 0) -> dict:
    key = jax.random.key(seed)
    ks = jax.random.split(key, 6)
    x = jax.random.normal(ks[0], (B, 1, 16, 16), dtype=jnp.float32)
    W1 = jax.random.normal(ks[1], (D, 2), dtype=jnp.float32) * 0.05
    b1 = jnp.zeros((2,), jnp.float32)
    W2 = jax.random.normal(ks[2], (D, 3), dtype=jnp.float32) * 0.05
    b2 = jnp.zeros((3,), jnp.float32)
    W3r = jax.random.normal(ks[3], (D, 8), dtype=jnp.float32) * 0.05
    b3r = jnp.zeros((8,), jnp.float32)
    W3a = jax.random.normal(ks[4], (D, 2), dtype=jnp.float32) * 0.05
    b3a = jnp.zeros((2,), jnp.float32)
    return {"x": x, "W1": W1, "b1": b1, "W2": W2, "b2": b2,
            "W3r": W3r, "b3r": b3r, "W3a": W3a, "b3a": b3a}

def reference(x, W1, b1, W2, b2, W3r, b3r, W3a, b3a):
    batch = x.shape[0]
    xf = x.reshape(batch, -1)
    # Stage 1
    s1_logits = xf @ W1 + b1
    s1_pred = jnp.argmax(s1_logits, axis=1)
    final = jnp.zeros((batch,), dtype=jnp.int32)
    partition_mask = s1_pred == 1
    # Stage 2
    s2_logits = xf @ W2 + b2
    s2_pred = jnp.argmax(s2_logits, axis=1)
    # split branch -> class 3
    split_mask = partition_mask & (s2_pred == 0)
    final = jnp.where(split_mask, jnp.int32(3), final)
    # rect branch -> stage3_rect pred + 1
    rect_mask = partition_mask & (s2_pred == 1)
    r_logits = xf @ W3r + b3r
    r_pred = jnp.argmax(r_logits, axis=1)
    final = jnp.where(rect_mask, (r_pred + 1).astype(jnp.int32), final)
    # ab branch -> 4 or 6
    ab_mask = partition_mask & (s2_pred == 2)
    a_logits = xf @ W3a + b3a
    a_pred = jnp.argmax(a_logits, axis=1)
    ab_final = jnp.where(a_pred == 0, 4, 6).astype(jnp.int32)
    final = jnp.where(ab_mask, ab_final, final)
    return final

if __name__ == "__main__":
    import jax
    _d = setup_inputs()
    print(jax.jit(kernel)(*tuple(_d.values())))

</pallas_src>

<mosaic_0001>
#map = affine_map<(d0, d1) -> (0, 0)>
#map1 = affine_map<(d0, d1) -> (0)>
module attributes {stable_mosaic.version = 14 : i64} {
  func.func @_sc_route(%arg0: i32, %arg1: i32, %arg2: memref<16x16384xf32, #tpu.memory_space<hbm>>, %arg3: memref<16384xi32, #tpu.memory_space<hbm>>, %arg4: memref<16x512xf32, #tpu.memory_space<vmem>>, %arg5: memref<512xi32, #tpu.memory_space<vmem>>) attributes {dimension_semantics = [#tpu.dimension_semantics<core_parallel>, #tpu.dimension_semantics<subcore_parallel>], iteration_bounds = array<i64: 2, 16>, scalar_prefetch = 0 : i64, scratch_operands = 2 : i64, tpu.core_type = #tpu.core_type<sc_vector_subcore>, window_params = [{transform_indices = #map}, {transform_indices = #map1}]} {
    %mul3A = arith.constant 2 : i32
    %mul3A_0 = arith.muli %arg1, %mul3A : i32
    %add3A = arith.addi %mul3A_0, %arg0 : i32
    %mul3A_1 = arith.constant 512 : i32
    %mul3A_2 = arith.muli %add3A, %mul3A_1 : i32
    "tpu.region"() ({
      %run_scoped3A = tpu.sem_alloc : memref<!tpu.dma_semaphore, #tpu.memory_space<semaphore_mem>>
      %dma_start3A = arith.constant 0 : i32
      %dma_start3A_8 = tpu.memref_slice %arg2[%dma_start3A, %mul3A_2] : memref<16x16384xf32, #tpu.memory_space<hbm>> -> memref<16x512xf32, #tpu.memory_space<hbm>>
      %dma_start3A_9 = arith.constant 0 : i32
      %dma_start3A_10 = tpu.memref_slice %arg2[%dma_start3A_9, %mul3A_2] : memref<16x16384xf32, #tpu.memory_space<hbm>> -> memref<16x512xf32, #tpu.memory_space<hbm>>
      tpu.enqueue_dma source(%dma_start3A_10 : memref<16x512xf32, #tpu.memory_space<hbm>>) target(%arg4 : memref<16x512xf32, #tpu.memory_space<vmem>>) target_semaphore(%run_scoped3A : memref<!tpu.dma_semaphore, #tpu.memory_space<semaphore_mem>>)
      %dma_wait3A = arith.constant 0 : i32
      %dma_wait3A_11 = tpu.memref_slice %arg2[%dma_wait3A, %mul3A_2] : memref<16x16384xf32, #tpu.memory_space<hbm>> -> memref<16x512xf32, #tpu.memory_space<hbm>>
      %dma_wait3A_12 = arith.constant 0 : i32
      %dma_wait3A_13 = tpu.memref_slice %arg2[%dma_wait3A_12, %mul3A_2] : memref<16x16384xf32, #tpu.memory_space<hbm>> -> memref<16x512xf32, #tpu.memory_space<hbm>>
      tpu.wait_dma2 semaphore(%run_scoped3A : memref<!tpu.dma_semaphore, #tpu.memory_space<semaphore_mem>>) src(%dma_wait3A_13 : memref<16x512xf32, #tpu.memory_space<hbm>>) dst(%arg4 : memref<16x512xf32, #tpu.memory_space<vmem>>)
      tpu.yield
    }) : () -> ()
    %scan3A = arith.constant 0 : i32
    %scan3A_3 = arith.constant 0 : i32
    %scan3A_4 = arith.constant 32 : i32
    %scan3A_5 = arith.addi %scan3A_3, %scan3A_4 : i32
    %scan3A_6 = arith.constant 1 : i32
    scf.for %scan3A_8 = %scan3A_3 to %scan3A_5 step %scan3A_6  : i32 {
      %mul3A_9 = arith.constant 16 : i32
      %mul3A_10 = arith.muli %scan3A_8, %mul3A_9 : i32
      %get3A = arith.constant 1 : i32
      %get3A_11 = arith.index_cast %get3A : i32 to index
      %get3A_12 = arith.index_cast %mul3A_10 : i32 to index
      %get3A_13 = tpu.vector_load %arg4[%get3A_11, %get3A_12] {strides = array<i32>} : memref<16x512xf32, #tpu.memory_space<vmem>>, vector<1x16xf32>,
      %get3A_14 = vector.shape_cast %get3A_13 : vector<1x16xf32> to vector<16xf32>
      %get3A_15 = arith.constant 0 : i32
      %get3A_16 = arith.index_cast %get3A_15 : i32 to index
      %get3A_17 = arith.index_cast %mul3A_10 : i32 to index
      %get3A_18 = tpu.vector_load %arg4[%get3A_16, %get3A_17] {strides = array<i32>} : memref<16x512xf32, #tpu.memory_space<vmem>>, vector<1x16xf32>,
      %get3A_19 = vector.shape_cast %get3A_18 : vector<1x16xf32> to vector<16xf32>
      %gt3A = arith.cmpf ogt, %get3A_14, %get3A_19 : vector<16xf32>
      %get3A_20 = arith.constant 2 : i32
      %get3A_21 = arith.index_cast %get3A_20 : i32 to index
      %get3A_22 = arith.index_cast %mul3A_10 : i32 to index
      %get3A_23 = tpu.vector_load %arg4[%get3A_21, %get3A_22] {strides = array<i32>} : memref<16x512xf32, #tpu.memory_space<vmem>>, vector<1x16xf32>,
      %get3A_24 = vector.shape_cast %get3A_23 : vector<1x16xf32> to vector<16xf32>
      %broadcast_in_dim3A = arith.constant 0 : i32
      %broadcast_in_dim3A_25 = vector.broadcast %broadcast_in_dim3A : i32 to vector<16xi32>
      %get3A_26 = arith.constant 3 : i32
      %get3A_27 = arith.index_cast %get3A_26 : i32 to index
      %get3A_28 = arith.index_cast %mul3A_10 : i32 to index
      %get3A_29 = tpu.vector_load %arg4[%get3A_27, %get3A_28] {strides = array<i32>} : memref<16x512xf32, #tpu.memory_space<vmem>>, vector<1x16xf32>,
      %get3A_30 = vector.shape_cast %get3A_29 : vector<1x16xf32> to vector<16xf32>
      %gt3A_31 = arith.cmpf ogt, %get3A_30, %get3A_24 : vector<16xf32>
      %jit3A = arith.constant 1 : i32
      %broadcast_in_dim3A_32 = vector.broadcast %jit3A : i32 to vector<16xi32>
      %select_n3A = arith.select %gt3A_31, %broadcast_in_dim3A_32, %broadcast_in_dim3A_25 : vector<16xi1>, vector<16xi32>
      %get3A_33 = arith.constant 3 : i32
      %get3A_34 = arith.index_cast %get3A_33 : i32 to index
      %get3A_35 = arith.index_cast %mul3A_10 : i32 to index
      %get3A_36 = tpu.vector_load %arg4[%get3A_34, %get3A_35] {strides = array<i32>} : memref<16x512xf32, #tpu.memory_space<vmem>>, vector<1x16xf32>,
      %get3A_37 = vector.shape_cast %get3A_36 : vector<1x16xf32> to vector<16xf32>
      %select_n3A_38 = arith.select %gt3A_31, %get3A_37, %get3A_24 : vector<16xi1>, vector<16xf32>
      %get3A_39 = arith.constant 4 : i32
      %get3A_40 = arith.index_cast %get3A_39 : i32 to index
      %get3A_41 = arith.index_cast %mul3A_10 : i32 to index
      %get3A_42 = tpu.vector_load %arg4[%get3A_40, %get3A_41] {strides = array<i32>} : memref<16x512xf32, #tpu.memory_space<vmem>>, vector<1x16xf32>,
      %get3A_43 = vector.shape_cast %get3A_42 : vector<1x16xf32> to vector<16xf32>
      %gt3A_44 = arith.cmpf ogt, %get3A_43, %select_n3A_38 : vector<16xf32>
      %jit3A_45 = arith.constant 2 : i32
      %broadcast_in_dim3A_46 = vector.broadcast %jit3A_45 : i32 to vector<16xi32>
      %select_n3A_47 = arith.select %gt3A_44, %broadcast_in_dim3A_46, %select_n3A : vector<16xi1>, vector<16xi32>
      %get3A_48 = arith.constant 5 : i32
      %get3A_49 = arith.index_cast %get3A_48 : i32 to index
      %get3A_50 = arith.index_cast %mul3A_10 : i32 to index
      %get3A_51 = tpu.vector_load %arg4[%get3A_49, %get3A_50] {strides = array<i32>} : memref<16x512xf32, #tpu.memory_space<vmem>>, vector<1x16xf32>,
      %get3A_52 = vector.shape_cast %get3A_51 : vector<1x16xf32> to vector<16xf32>
      %get3A_53 = arith.constant 6 : i32
      %get3A_54 = arith.index_cast %get3A_53 : i32 to index
      %get3A_55 = arith.index_cast %mul3A_10 : i32 to index
      %get3A_56 = tpu.vector_load %arg4[%get3A_54, %get3A_55] {strides = array<i32>} : memref<16x512xf32, #tpu.memory_space<vmem>>, vector<1x16xf32>,
      %get3A_57 = vector.shape_cast %get3A_56 : vector<1x16xf32> to vector<16xf32>
      %gt3A_58 = arith.cmpf ogt, %get3A_57, %get3A_52 : vector<16xf32>
      %jit3A_59 = arith.constant 1 : i32
      %broadcast_in_dim3A_60 = vector.broadcast %jit3A_59 : i32 to vector<16xi32>
      %select_n3A_61 = arith.select %gt3A_58, %broadcast_in_dim3A_60, %broadcast_in_dim3A_25 : vector<16xi1>, vector<16xi32>
      %get3A_62 = arith.constant 6 : i32
      %get3A_63 = arith.index_cast %get3A_62 : i32 to index
      %get3A_64 = arith.index_cast %mul3A_10 : i32 to index
      %get3A_65 = tpu.vector_load %arg4[%get3A_63, %get3A_64] {strides = array<i32>} : memref<16x512xf32, #tpu.memory_space<vmem>>, vector<1x16xf32>,
      %get3A_66 = vector.shape_cast %get3A_65 : vector<1x16xf32> to vector<16xf32>
      %select_n3A_67 = arith.select %gt3A_58, %get3A_66, %get3A_52 : vector<16xi1>, vector<16xf32>
      %get3A_68 = arith.constant 7 : i32
      %get3A_69 = arith.index_cast %get3A_68 : i32 to index
      %get3A_70 = arith.index_cast %mul3A_10 : i32 to index
      %get3A_71 = tpu.vector_load %arg4[%get3A_69, %get3A_70] {strides = array<i32>} : memref<16x512xf32, #tpu.memory_space<vmem>>, vector<1x16xf32>,
      %get3A_72 = vector.shape_cast %get3A_71 : vector<1x16xf32> to vector<16xf32>
      %gt3A_73 = arith.cmpf ogt, %get3A_72, %select_n3A_67 : vector<16xf32>
      %jit3A_74 = arith.constant 2 : i32
      %broadcast_in_dim3A_75 = vector.broadcast %jit3A_74 : i32 to vector<16xi32>
      %select_n3A_76 = arith.select %gt3A_73, %broadcast_in_dim3A_75, %select_n3A_61 : vector<16xi1>, vector<16xi32>
      %get3A_77 = arith.constant 7 : i32
      %get3A_78 = arith.index_cast %get3A_77 : i32 to index
      %get3A_79 = arith.index_cast %mul3A_10 : i32 to index
      %get3A_80 = tpu.vector_load %arg4[%get3A_78, %get3A_79] {strides = array<i32>} : memref<16x512xf32, #tpu.memory_space<vmem>>, vector<1x16xf32>,
      %get3A_81 = vector.shape_cast %get3A_80 : vector<1x16xf32> to vector<16xf32>
      %select_n3A_82 = arith.select %gt3A_73, %get3A_81, %select_n3A_67 : vector<16xi1>, vector<16xf32>
      %get3A_83 = arith.constant 8 : i32
      %get3A_84 = arith.index_cast %get3A_83 : i32 to index
      %get3A_85 = arith.index_cast %mul3A_10 : i32 to index
      %get3A_86 = tpu.vector_load %arg4[%get3A_84, %get3A_85] {strides = array<i32>} : memref<16x512xf32, #tpu.memory_space<vmem>>, vector<1x16xf32>,
      %get3A_87 = vector.shape_cast %get3A_86 : vector<1x16xf32> to vector<16xf32>
      %gt3A_88 = arith.cmpf ogt, %get3A_87, %select_n3A_82 : vector<16xf32>
      %jit3A_89 = arith.constant 3 : i32
      %broadcast_in_dim3A_90 = vector.broadcast %jit3A_89 : i32 to vector<16xi32>
      %select_n3A_91 = arith.select %gt3A_88, %broadcast_in_dim3A_90, %select_n3A_76 : vector<16xi1>, vector<16xi32>
      %get3A_92 = arith.constant 8 : i32
      %get3A_93 = arith.index_cast %get3A_92 : i32 to index
      %get3A_94 = arith.index_cast %mul3A_10 : i32 to index
      %get3A_95 = tpu.vector_load %arg4[%get3A_93, %get3A_94] {strides = array<i32>} : memref<16x512xf32, #tpu.memory_space<vmem>>, vector<1x16xf32>,
      %get3A_96 = vector.shape_cast %get3A_95 : vector<1x16xf32> to vector<16xf32>
      %select_n3A_97 = arith.select %gt3A_88, %get3A_96, %select_n3A_82 : vector<16xi1>, vector<16xf32>
      %get3A_98 = arith.constant 9 : i32
      %get3A_99 = arith.index_cast %get3A_98 : i32 to index
      %get3A_100 = arith.index_cast %mul3A_10 : i32 to index
      %get3A_101 = tpu.vector_load %arg4[%get3A_99, %get3A_100] {strides = array<i32>} : memref<16x512xf32, #tpu.memory_space<vmem>>, vector<1x16xf32>,
      %get3A_102 = vector.shape_cast %get3A_101 : vector<1x16xf32> to vector<16xf32>
      %gt3A_103 = arith.cmpf ogt, %get3A_102, %select_n3A_97 : vector<16xf32>
      %jit3A_104 = arith.constant 4 : i32
      %broadcast_in_dim3A_105 = vector.broadcast %jit3A_104 : i32 to vector<16xi32>
      %select_n3A_106 = arith.select %gt3A_103, %broadcast_in_dim3A_105, %select_n3A_91 : vector<16xi1>, vector<16xi32>
      %get3A_107 = arith.constant 9 : i32
      %get3A_108 = arith.index_cast %get3A_107 : i32 to index
      %get3A_109 = arith.index_cast %mul3A_10 : i32 to index
      %get3A_110 = tpu.vector_load %arg4[%get3A_108, %get3A_109] {strides = array<i32>} : memref<16x512xf32, #tpu.memory_space<vmem>>, vector<1x16xf32>,
      %get3A_111 = vector.shape_cast %get3A_110 : vector<1x16xf32> to vector<16xf32>
      %select_n3A_112 = arith.select %gt3A_103, %get3A_111, %select_n3A_97 : vector<16xi1>, vector<16xf32>
      %get3A_113 = arith.constant 10 : i32
      %get3A_114 = arith.index_cast %get3A_113 : i32 to index
      %get3A_115 = arith.index_cast %mul3A_10 : i32 to index
      %get3A_116 = tpu.vector_load %arg4[%get3A_114, %get3A_115] {strides = array<i32>} : memref<16x512xf32, #tpu.memory_space<vmem>>, vector<1x16xf32>,
      %get3A_117 = vector.shape_cast %get3A_116 : vector<1x16xf32> to vector<16xf32>
      %gt3A_118 = arith.cmpf ogt, %get3A_117, %select_n3A_112 : vector<16xf32>
      %jit3A_119 = arith.constant 5 : i32
      %broadcast_in_dim3A_120 = vector.broadcast %jit3A_119 : i32 to vector<16xi32>
      %select_n3A_121 = arith.select %gt3A_118, %broadcast_in_dim3A_120, %select_n3A_106 : vector<16xi1>, vector<16xi32>
      %get3A_122 = arith.constant 10 : i32
      %get3A_123 = arith.index_cast %get3A_122 : i32 to index
      %get3A_124 = arith.index_cast %mul3A_10 : i32 to index
      %get3A_125 = tpu.vector_load %arg4[%get3A_123, %get3A_124] {strides = array<i32>} : memref<16x512xf32, #tpu.memory_space<vmem>>, vector<1x16xf32>,
      %get3A_126 = vector.shape_cast %get3A_125 : vector<1x16xf32> to vector<16xf32>
      %select_n3A_127 = arith.select %gt3A_118, %get3A_126, %select_n3A_112 : vector<16xi1>, vector<16xf32>
      %get3A_128 = arith.constant 11 : i32
      %get3A_129 = arith.index_cast %get3A_128 : i32 to index
      %get3A_130 = arith.index_cast %mul3A_10 : i32 to index
      %get3A_131 = tpu.vector_load %arg4[%get3A_129, %get3A_130] {strides = array<i32>} : memref<16x512xf32, #tpu.memory_space<vmem>>, vector<1x16xf32>,
      %get3A_132 = vector.shape_cast %get3A_131 : vector<1x16xf32> to vector<16xf32>
      %gt3A_133 = arith.cmpf ogt, %get3A_132, %select_n3A_127 : vector<16xf32>
      %jit3A_134 = arith.constant 6 : i32
      %broadcast_in_dim3A_135 = vector.broadcast %jit3A_134 : i32 to vector<16xi32>
      %select_n3A_136 = arith.select %gt3A_133, %broadcast_in_dim3A_135, %select_n3A_121 : vector<16xi1>, vector<16xi32>
      %get3A_137 = arith.constant 11 : i32
      %get3A_138 = arith.index_cast %get3A_137 : i32 to index
      %get3A_139 = arith.index_cast %mul3A_10 : i32 to index
      %get3A_140 = tpu.vector_load %arg4[%get3A_138, %get3A_139] {strides = array<i32>} : memref<16x512xf32, #tpu.memory_space<vmem>>, vector<1x16xf32>,
      %get3A_141 = vector.shape_cast %get3A_140 : vector<1x16xf32> to vector<16xf32>
      %select_n3A_142 = arith.select %gt3A_133, %get3A_141, %select_n3A_127 : vector<16xi1>, vector<16xf32>
      %get3A_143 = arith.constant 12 : i32
      %get3A_144 = arith.index_cast %get3A_143 : i32 to index
      %get3A_145 = arith.index_cast %mul3A_10 : i32 to index
      %get3A_146 = tpu.vector_load %arg4[%get3A_144, %get3A_145] {strides = array<i32>} : memref<16x512xf32, #tpu.memory_space<vmem>>, vector<1x16xf32>,
      %get3A_147 = vector.shape_cast %get3A_146 : vector<1x16xf32> to vector<16xf32>
      %gt3A_148 = arith.cmpf ogt, %get3A_147, %select_n3A_142 : vector<16xf32>
      %jit3A_149 = arith.constant 7 : i32
      %broadcast_in_dim3A_150 = vector.broadcast %jit3A_149 : i32 to vector<16xi32>
      %select_n3A_151 = arith.select %gt3A_148, %broadcast_in_dim3A_150, %select_n3A_136 : vector<16xi1>, vector<16xi32>
      %get3A_152 = arith.constant 12 : i32
      %get3A_153 = arith.index_cast %get3A_152 : i32 to index
      %get3A_154 = arith.index_cast %mul3A_10 : i32 to index
      %get3A_155 = tpu.vector_load %arg4[%get3A_153, %get3A_154] {strides = array<i32>} : memref<16x512xf32, #tpu.memory_space<vmem>>, vector<1x16xf32>,
      %get3A_156 = vector.shape_cast %get3A_155 : vector<1x16xf32> to vector<16xf32>
      %select_n3A_157 = arith.select %gt3A_148, %get3A_156, %select_n3A_142 : vector<16xi1>, vector<16xf32>
      %get3A_158 = arith.constant 13 : i32
      %get3A_159 = arith.index_cast %get3A_158 : i32 to index
      %get3A_160 = arith.index_cast %mul3A_10 : i32 to index
      %get3A_161 = tpu.vector_load %arg4[%get3A_159, %get3A_160] {strides = array<i32>} : memref<16x512xf32, #tpu.memory_space<vmem>>, vector<1x16xf32>,
      %get3A_162 = vector.shape_cast %get3A_161 : vector<1x16xf32> to vector<16xf32>
      %get3A_163 = arith.constant 14 : i32
      %get3A_164 = arith.index_cast %get3A_163 : i32 to index
      %get3A_165 = arith.index_cast %mul3A_10 : i32 to index
      %get3A_166 = tpu.vector_load %arg4[%get3A_164, %get3A_165] {strides = array<i32>} : memref<16x512xf32, #tpu.memory_space<vmem>>, vector<1x16xf32>,
      %get3A_167 = vector.shape_cast %get3A_166 : vector<1x16xf32> to vector<16xf32>
      %ge3A = arith.cmpf oge, %get3A_162, %get3A_167 : vector<16xf32>
      %eq3A = arith.constant 0 : i32
      %eq3A_168 = vector.broadcast %eq3A : i32 to vector<16xi32>
      %eq3A_169 = arith.cmpi eq, %select_n3A_47, %eq3A_168 : vector<16xi32>
      %eq3A_170 = arith.constant 1 : i32
      %eq3A_171 = vector.broadcast %eq3A_170 : i32 to vector<16xi32>
      %eq3A_172 = arith.cmpi eq, %select_n3A_47, %eq3A_171 : vector<16xi32>
      %add3A_173 = arith.constant 1 : i32
      %add3A_174 = vector.broadcast %add3A_173 : i32 to vector<16xi32>
      %add3A_175 = arith.addi %select_n3A_151, %add3A_174 : vector<16xi32>
      %jit3A_176 = arith.constant 4 : i32
      %jit3A_177 = arith.constant 6 : i32
      %broadcast_in_dim3A_178 = vector.broadcast %jit3A_176 : i32 to vector<16xi32>
      %broadcast_in_dim3A_179 = vector.broadcast %jit3A_177 : i32 to vector<16xi32>
      %select_n3A_180 = arith.select %ge3A, %broadcast_in_dim3A_178, %broadcast_in_dim3A_179 : vector<16xi1>, vector<16xi32>
      %select_n3A_181 = arith.select %eq3A_172, %add3A_175, %select_n3A_180 : vector<16xi1>, vector<16xi32>
      %jit3A_182 = arith.constant 3 : i32
      %broadcast_in_dim3A_183 = vector.broadcast %jit3A_182 : i32 to vector<16xi32>
      %select_n3A_184 = arith.select %eq3A_169, %broadcast_in_dim3A_183, %select_n3A_181 : vector<16xi1>, vector<16xi32>
      %jit3A_185 = arith.constant 0 : i32
      %broadcast_in_dim3A_186 = vector.broadcast %jit3A_185 : i32 to vector<16xi32>
      %select_n3A_187 = arith.select %gt3A, %select_n3A_184, %broadcast_in_dim3A_186 : vector<16xi1>, vector<16xi32>
      %swap3A = arith.index_cast %mul3A_10 : i32 to index
      %swap3A_188 = tpu.vector_load %arg5[%swap3A] {strides = array<i32>} : memref<512xi32, #tpu.memory_space<vmem>>, vector<16xi32>,
      %swap3A_189 = vector.shape_cast %swap3A_188 : vector<16xi32> to vector<16xi32>
      %swap3A_190 = vector.shape_cast %select_n3A_187 : vector<16xi32> to vector<16xi32>
      tpu.vector_store %arg5[%swap3A], %swap3A_190 {strides = array<i32>} : memref<512xi32, #tpu.memory_space<vmem>>, vector<16xi32>,
    }
    %scan3A_7 = arith.constant 32 : i32
    "tpu.region"() ({
      %run_scoped3A = tpu.sem_alloc : memref<!tpu.dma_semaphore, #tpu.memory_space<semaphore_mem>>
      %dma_start3A = tpu.memref_slice %arg3[%mul3A_2] : memref<16384xi32, #tpu.memory_space<hbm>> -> memref<512xi32, #tpu.memory_space<hbm>>
      %dma_start3A_8 = tpu.memref_slice %arg3[%mul3A_2] : memref<16384xi32, #tpu.memory_space<hbm>> -> memref<512xi32, #tpu.memory_space<hbm>>
      tpu.enqueue_dma source(%arg5 : memref<512xi32, #tpu.memory_space<vmem>>) target(%dma_start3A_8 : memref<512xi32, #tpu.memory_space<hbm>>) target_semaphore(%run_scoped3A : memref<!tpu.dma_semaphore, #tpu.memory_space<semaphore_mem>>)
      %dma_wait3A = tpu.memref_slice %arg3[%mul3A_2] : memref<16384xi32, #tpu.memory_space<hbm>> -> memref<512xi32, #tpu.memory_space<hbm>>
      %dma_wait3A_9 = tpu.memref_slice %arg3[%mul3A_2] : memref<16384xi32, #tpu.memory_space<hbm>> -> memref<512xi32, #tpu.memory_space<hbm>>
      tpu.wait_dma2 semaphore(%run_scoped3A : memref<!tpu.dma_semaphore, #tpu.memory_space<semaphore_mem>>) src(%arg5 : memref<512xi32, #tpu.memory_space<vmem>>) dst(%dma_wait3A_9 : memref<512xi32, #tpu.memory_space<hbm>>)
      tpu.yield
    }) : () -> ()
    return
  }
}

module attributes {stable_mosaic.version = 14 : i64} {
  func.func @_tc_body(%arg0: i32, %arg1: memref<256x4096xf32, #tpu.memory_space<vmem>>, %arg2: memref<256x4096xf32, #tpu.memory_space<vmem>>, %arg3: memref<2x256xf32, #tpu.memory_space<vmem>>, %arg4: memref<3x256xf32, #tpu.memory_space<vmem>>, %arg5: memref<8x256xf32, #tpu.memory_space<vmem>>, %arg6: memref<2x256xf32, #tpu.memory_space<vmem>>, %arg7: memref<15xf32, #tpu.memory_space<smem>>, %arg8: memref<16x16384xf32, #tpu.memory_space<vmem>>) attributes {dimension_semantics = [#tpu.dimension_semantics<arbitrary>], iteration_bounds = array<i64: 2>, scalar_prefetch = 0 : i64, scratch_operands = 0 : i64, tpu.core_type = #tpu.core_type<tc>, window_params = [{transform_indices = @transform_0, window_bounds = array<i64: 256, 4096>}, {transform_indices = @transform_1, window_bounds = array<i64: 256, 4096>}, {pipeline_mode = #tpu.pipeline_mode<synchronous>, transform_indices = @transform_2, window_bounds = array<i64: 2, 256>}, {pipeline_mode = #tpu.pipeline_mode<synchronous>, transform_indices = @transform_3, window_bounds = array<i64: 3, 256>}, {pipeline_mode = #tpu.pipeline_mode<synchronous>, transform_indices = @transform_4, window_bounds = array<i64: 8, 256>}, {pipeline_mode = #tpu.pipeline_mode<synchronous>, transform_indices = @transform_5, window_bounds = array<i64: 2, 256>}, {transform_indices = @transform_6, window_bounds = array<i64: 15>}, {pipeline_mode = #tpu.pipeline_mode<synchronous>, transform_indices = @transform_7, window_bounds = array<i64: 16, 16384>}]} {
    %get3A = arith.constant 0 : index
    %get3A_0 = arith.constant 0 : index
    %get3A_1 = vector.load %arg3[%get3A, %get3A_0] : memref<2x256xf32, #tpu.memory_space<vmem>>, vector<2x256xf32>
    %get3A_2 = arith.constant 0 : index
    %get3A_3 = arith.constant 0 : index
    %get3A_4 = vector.load %arg4[%get3A_2, %get3A_3] : memref<3x256xf32, #tpu.memory_space<vmem>>, vector<3x256xf32>
    %get3A_5 = arith.constant 0 : index
    %get3A_6 = arith.constant 0 : index
    %get3A_7 = vector.load %arg5[%get3A_5, %get3A_6] : memref<8x256xf32, #tpu.memory_space<vmem>>, vector<8x256xf32>
    %get3A_8 = arith.constant 0 : index
    %get3A_9 = arith.constant 0 : index
    %get3A_10 = vector.load %arg6[%get3A_8, %get3A_9] : memref<2x256xf32, #tpu.memory_space<vmem>>, vector<2x256xf32>
    %concatenate3A = tpu.concatenate %get3A_1, %get3A_4, %get3A_7, %get3A_10 in 0 : vector<2x256xf32>, vector<3x256xf32>, vector<8x256xf32>, vector<2x256xf32> -> vector<15x256xf32>
    %get3A_11 = arith.constant 0 : index
    %get3A_12 = memref.load %arg7[%get3A_11] : memref<15xf32, #tpu.memory_space<smem>>
    %broadcast_in_dim3A = vector.broadcast %get3A_12 : f32 to vector<1x1xf32>
    %get3A_13 = arith.constant 1 : index
    %get3A_14 = memref.load %arg7[%get3A_13] : memref<15xf32, #tpu.memory_space<smem>>
    %broadcast_in_dim3A_15 = vector.broadcast %get3A_14 : f32 to vector<1x1xf32>
    %get3A_16 = arith.constant 2 : index
    %get3A_17 = memref.load %arg7[%get3A_16] : memref<15xf32, #tpu.memory_space<smem>>
    %broadcast_in_dim3A_18 = vector.broadcast %get3A_17 : f32 to vector<1x1xf32>
    %get3A_19 = arith.constant 3 : index
    %get3A_20 = memref.load %arg7[%get3A_19] : memref<15xf32, #tpu.memory_space<smem>>
    %broadcast_in_dim3A_21 = vector.broadcast %get3A_20 : f32 to vector<1x1xf32>
    %get3A_22 = arith.constant 4 : index
    %get3A_23 = memref.load %arg7[%get3A_22] : memref<15xf32, #tpu.memory_space<smem>>
    %broadcast_in_dim3A_24 = vector.broadcast %get3A_23 : f32 to vector<1x1xf32>
    %get3A_25 = arith.constant 5 : index
    %get3A_26 = memref.load %arg7[%get3A_25] : memref<15xf32, #tpu.memory_space<smem>>
    %broadcast_in_dim3A_27 = vector.broadcast %get3A_26 : f32 to vector<1x1xf32>
    %get3A_28 = arith.constant 6 : index
    %get3A_29 = memref.load %arg7[%get3A_28] : memref<15xf32, #tpu.memory_space<smem>>
    %broadcast_in_dim3A_30 = vector.broadcast %get3A_29 : f32 to vector<1x1xf32>
    %get3A_31 = arith.constant 7 : index
    %get3A_32 = memref.load %arg7[%get3A_31] : memref<15xf32, #tpu.memory_space<smem>>
    %broadcast_in_dim3A_33 = vector.broadcast %get3A_32 : f32 to vector<1x1xf32>
    %get3A_34 = arith.constant 8 : index
    %get3A_35 = memref.load %arg7[%get3A_34] : memref<15xf32, #tpu.memory_space<smem>>
    %broadcast_in_dim3A_36 = vector.broadcast %get3A_35 : f32 to vector<1x1xf32>
    %get3A_37 = arith.constant 9 : index
    %get3A_38 = memref.load %arg7[%get3A_37] : memref<15xf32, #tpu.memory_space<smem>>
    %broadcast_in_dim3A_39 = vector.broadcast %get3A_38 : f32 to vector<1x1xf32>
    %get3A_40 = arith.constant 10 : index
    %get3A_41 = memref.load %arg7[%get3A_40] : memref<15xf32, #tpu.memory_space<smem>>
    %broadcast_in_dim3A_42 = vector.broadcast %get3A_41 : f32 to vector<1x1xf32>
    %get3A_43 = arith.constant 11 : index
    %get3A_44 = memref.load %arg7[%get3A_43] : memref<15xf32, #tpu.memory_space<smem>>
    %broadcast_in_dim3A_45 = vector.broadcast %get3A_44 : f32 to vector<1x1xf32>
    %get3A_46 = arith.constant 12 : index
    %get3A_47 = memref.load %arg7[%get3A_46] : memref<15xf32, #tpu.memory_space<smem>>
    %broadcast_in_dim3A_48 = vector.broadcast %get3A_47 : f32 to vector<1x1xf32>
    %get3A_49 = arith.constant 13 : index
    %get3A_50 = memref.load %arg7[%get3A_49] : memref<15xf32, #tpu.memory_space<smem>>
    %broadcast_in_dim3A_51 = vector.broadcast %get3A_50 : f32 to vector<1x1xf32>
    %get3A_52 = arith.constant 14 : index
    %get3A_53 = memref.load %arg7[%get3A_52] : memref<15xf32, #tpu.memory_space<smem>>
    %broadcast_in_dim3A_54 = vector.broadcast %get3A_53 : f32 to vector<1x1xf32>
    %broadcast_in_dim3A_55 = arith.constant 0.000000e+00 : f32
    %broadcast_in_dim3A_56 = vector.broadcast %broadcast_in_dim3A_55 : f32 to vector<1x1xf32>
    %concatenate3A_57 = tpu.concatenate %broadcast_in_dim3A, %broadcast_in_dim3A_15, %broadcast_in_dim3A_18, %broadcast_in_dim3A_21, %broadcast_in_dim3A_24, %broadcast_in_dim3A_27, %broadcast_in_dim3A_30, %broadcast_in_dim3A_33, %broadcast_in_dim3A_36, %broadcast_in_dim3A_39, %broadcast_in_dim3A_42, %broadcast_in_dim3A_45, %broadcast_in_dim3A_48, %broadcast_in_dim3A_51, %broadcast_in_dim3A_54, %broadcast_in_dim3A_56 in 0 : vector<1x1xf32>, vector<1x1xf32>, vector<1x1xf32>, vector<1x1xf32>, vector<1x1xf32>, vector<1x1xf32>, vector<1x1xf32>, vector<1x1xf32>, vector<1x1xf32>, vector<1x1xf32>, vector<1x1xf32>, vector<1x1xf32>, vector<1x1xf32>, vector<1x1xf32>, vector<1x1xf32>, vector<1x1xf32> -> vector<16x1xf32>
    %get3A_58 = arith.constant 0 : index
    %get3A_59 = arith.constant 0 : index
    %get3A_60 = vector.load %arg1[%get3A_58, %get3A_59] : memref<256x4096xf32, #tpu.memory_space<vmem>>, vector<256x4096xf32>
    %dot_general3A = arith.constant dense<0.000000e+00> : vector<15x4096xf32>
    %dot_general3A_61 = tpu.matmul %concatenate3A, %get3A_60, %dot_general3A {dimension_numbers = #tpu.dot_dimension_numbers<[1], [0], [0], [1], [0, 0, 1, 1], [], []>, transpose_lhs_hint = false} : vector<15x256xf32>, vector<256x4096xf32>, vector<15x4096xf32> -> vector<15x4096xf32>
    %broadcast_in_dim3A_62 = arith.constant 0.000000e+00 : f32
    %broadcast_in_dim3A_63 = vector.broadcast %broadcast_in_dim3A_62 : f32 to vector<1x4096xf32>
    %concatenate3A_64 = tpu.concatenate %dot_general3A_61, %broadcast_in_dim3A_63 in 0 : vector<15x4096xf32>, vector<1x4096xf32> -> vector<16x4096xf32>
    %add3A = vector.broadcast %concatenate3A_57 : vector<16x1xf32> to vector<16x4096xf32>
    %add3A_65 = arith.addf %concatenate3A_64, %add3A : vector<16x4096xf32>
    %mul3A = arith.constant 2 : i32
    %mul3A_66 = arith.muli %arg0, %mul3A : i32
    %add3A_67 = arith.constant 0 : i32
    %add3A_68 = arith.addi %mul3A_66, %add3A_67 : i32
    %mul3A_69 = arith.constant 4096 : i32
    %mul3A_70 = arith.muli %add3A_68, %mul3A_69 : i32
    %swap3A = arith.constant 0 : index
    %swap3A_71 = arith.index_cast %mul3A_70 : i32 to index
    %swap3A_72 = vector.load %arg8[%swap3A, %swap3A_71] : memref<16x16384xf32, #tpu.memory_space<vmem>>, vector<16x4096xf32>
    tpu.vector_store %arg8[%swap3A, %swap3A_71], %add3A_65 {strides = array<i32>} : memref<16x16384xf32, #tpu.memory_space<vmem>>, vector<16x4096xf32>,
    %get3A_73 = arith.constant 0 : index
    %get3A_74 = arith.constant 0 : index
    %get3A_75 = vector.load %arg2[%get3A_73, %get3A_74] : memref<256x4096xf32, #tpu.memory_space<vmem>>, vector<256x4096xf32>
    %dot_general3A_76 = arith.constant dense<0.000000e+00> : vector<15x4096xf32>
    %dot_general3A_77 = tpu.matmul %concatenate3A, %get3A_75, %dot_general3A_76 {dimension_numbers = #tpu.dot_dimension_numbers<[1], [0], [0], [1], [0, 0, 1, 1], [], []>, transpose_lhs_hint = false} : vector<15x256xf32>, vector<256x4096xf32>, vector<15x4096xf32> -> vector<15x4096xf32>
    %broadcast_in_dim3A_78 = arith.constant 0.000000e+00 : f32
    %broadcast_in_dim3A_79 = vector.broadcast %broadcast_in_dim3A_78 : f32 to vector<1x4096xf32>
    %concatenate3A_80 = tpu.concatenate %dot_general3A_77, %broadcast_in_dim3A_79 in 0 : vector<15x4096xf32>, vector<1x4096xf32> -> vector<16x4096xf32>
    %add3A_81 = vector.broadcast %concatenate3A_57 : vector<16x1xf32> to vector<16x4096xf32>
    %add3A_82 = arith.addf %concatenate3A_80, %add3A_81 : vector<16x4096xf32>
    %mul3A_83 = arith.constant 2 : i32
    %mul3A_84 = arith.muli %arg0, %mul3A_83 : i32
    %add3A_85 = arith.constant 1 : i32
    %add3A_86 = arith.addi %mul3A_84, %add3A_85 : i32
    %mul3A_87 = arith.constant 4096 : i32
    %mul3A_88 = arith.muli %add3A_86, %mul3A_87 : i32
    %swap3A_89 = arith.constant 0 : index
    %swap3A_90 = arith.index_cast %mul3A_88 : i32 to index
    %swap3A_91 = vector.load %arg8[%swap3A_89, %swap3A_90] : memref<16x16384xf32, #tpu.memory_space<vmem>>, vector<16x4096xf32>
    tpu.vector_store %arg8[%swap3A_89, %swap3A_90], %add3A_82 {strides = array<i32>} : memref<16x16384xf32, #tpu.memory_space<vmem>>, vector<16x4096xf32>,
    return
  }
  func.func @transform_0(%arg0: i32) -> (i32, i32) {
    %mul3A = arith.constant 2 : i32
    %mul3A_0 = arith.muli %mul3A, %arg0 : i32
    %c0_i32 = arith.constant 0 : i32
    %c0_i32_1 = arith.constant 0 : i32
    return %c0_i32, %mul3A_0 : i32, i32
  }
  func.func @transform_1(%arg0: i32) -> (i32, i32) {
    %mul3A = arith.constant 2 : i32
    %mul3A_0 = arith.muli %mul3A, %arg0 : i32
    %add3A = arith.constant 1 : i32
    %add3A_1 = arith.addi %mul3A_0, %add3A : i32
    %c0_i32 = arith.constant 0 : i32
    %c0_i32_2 = arith.constant 0 : i32
    return %c0_i32, %add3A_1 : i32, i32
  }
  func.func @transform_2(%arg0: i32) -> (i32, i32) {
    %c0_i32 = arith.constant 0 : i32
    %c0_i32_0 = arith.constant 0 : i32
    %c0_i32_1 = arith.constant 0 : i32
    return %c0_i32, %c0_i32_0 : i32, i32
  }
  func.func @transform_3(%arg0: i32) -> (i32, i32) {
    %c0_i32 = arith.constant 0 : i32
    %c0_i32_0 = arith.constant 0 : i32
    %c0_i32_1 = arith.constant 0 : i32
    return %c0_i32, %c0_i32_0 : i32, i32
  }
  func.func @transform_4(%arg0: i32) -> (i32, i32) {
    %c0_i32 = arith.constant 0 : i32
    %c0_i32_0 = arith.constant 0 : i32
    %c0_i32_1 = arith.constant 0 : i32
    return %c0_i32, %c0_i32_0 : i32, i32
  }
  func.func @transform_5(%arg0: i32) -> (i32, i32) {
    %c0_i32 = arith.constant 0 : i32
    %c0_i32_0 = arith.constant 0 : i32
    %c0_i32_1 = arith.constant 0 : i32
    return %c0_i32, %c0_i32_0 : i32, i32
  }
  func.func @transform_6(%arg0: i32) -> i32 {
    %c0_i32 = arith.constant 0 : i32
    %c0_i32_0 = arith.constant 0 : i32
    return %c0_i32 : i32
  }
  func.func @transform_7(%arg0: i32) -> (i32, i32) {
    %c0_i32 = arith.constant 0 : i32
    %c0_i32_0 = arith.constant 0 : i32
    %c0_i32_1 = arith.constant 0 : i32
    return %c0_i32, %c0_i32_0 : i32, i32
  }
}

</mosaic_0001>

<sc_bundles>
// kernel: kernel.4.cloned.1.call-start
scs
__scs_entry_jumppad:
0x0: {  	(pc) =	sbr.rel $0x88, $3  }
0x1: {  	(tag) =	ssettag $0x0;
	lr =	simm.s32 $0x1  }
0x2: {  	[smem:$0x3F98] =	sst lr;
	_ =	strace $0xD0000000  }
0x3: {  	_ = 	snop  }
0x4: {  	_ = 	snop  }
0x5: {  	_ = 	snop  }
0x6: {  	_ = 	snop  }
0x7: {  	_ = 	snop  }
__scs_overlays_trampoline_lowered:
0x8: {  	[smem:$0x3FA7] =	sst s0  }
0x9: {  	[smem:$0x3FA8] =	sst s1  }
0xa: {  	[smem:$0x3FA9] =	sst s2  }
0xb: {  	[smem:$0x3FAA] =	sst s3  }
0xc: {  	[smem:$0x3FAB] =	sst s4  }
0xd: {  	[smem:$0x3FAC] =	sst s5  }
0xe: {  	[smem:$0x3FAD] =	sst s6  }
0xf: {  	[smem:$0x3FAE] =	sst s7  }
0x10: {  	[smem:$0x3FAF] =	sst s8  }
0x11: {  	[smem:$0x3FB0] =	sst s9;
	s0 =	simm.s32 @!p0 $0x0  }
0x12: {  	s1 =	sld [smem:$0x3F96];
	s0 =	simm.s32 @p0 $0x1  }
0x13: {  	[smem:$0x3FB1] =	sst s0;
	s0 =	simm.s32 @!p1 $0x0  }
0x14: {  	s2 =	sld [smem:$0x3F95];
	s0 =	simm.s32 @p1 $0x1  }
0x15: {  	[smem:$0x3FB2] =	sst s0;
	s0 =	simm.s32 @!p2 $0x0  }
0x16: {  	s3 =	sld [smem:$0x3FDB];
	s0 =	simm.s32 @p2 $0x1  }
0x17: {  	s4 =	simm.s32 $0x1BF5;
	[smem:$0x3FB4] =	sst s0  }
0x18: {  	s0 =	sld [smem:$0x3F97];
	_ =	swait.ge [sflag:s4], $0x0  }
0x19: {  	s7 =	sld [smem:$0x3F98]  }
0x1a: {  	s8 =	sadd.s32 $0xFFFFE003, lr  }
0x1b: {  	s9 =	sadd.s32 $0xFFFFFEF7, lr;
	s5 =	simm.s32 $0xFFFFFFFF;
	p2 =	slt.u32 s8, $0xFFFFF086  }
0x1c: {  	p1 =	slt.u32 s9, $0xF7A;
	s5 =	simm.s32 @!p2 $0x0  }
0x1d: {  	s5 =	simm.s32 @p1 $0x1;
	p0 =	seq.s32 s7, s2  }
0x1e: {  	s7 =	smul.u32 @!p0 $0xF7A, s2;
	p2 =	seq.s32 @!p0 s5, $0x0  }
0x1f: {  	s9 =	smul.u32 $0xF7A, s1;
	s8 =	simm.s32 @!p0 $0x1BF5;
	p2 =	por !p2, p0  }
0x20: {  	[sflag:s8] =	ssyncset.s32 @!p0 $0xFFFFF086;
	s6 =	sadd.s32 @!p0 s3, s7;
	s7 =	simm.s32 @!p0 $0x108  }
0x21: {  	s3 =	sadd.s32 s3, s9;
	s6 =	sadd.s32 @!p0 $0x88, s6;
	s7 =	simm.s32 @p2 $0x1082  }
0x22: {  	[simem:s7], [sflag:s8] =	dma.local @!p0 [hbm:s6], $0xF7A  }
0x23: {  	s9 =	sor.u32 $0xD0000000, s2;
	s6 =	simm.s32 $0x108;
	_ =	swait.ge @!p0 [sflag:s8], $0x0  }
0x24: {  	s3 =	sadd.s32 $0x88, s3;
	s6 =	simm.s32 @!p1 $0x1082;
	[sflag:s4] =	ssyncset.s32 $0xFFFFF086  }
0x25: {  	[simem:s6], [sflag:s4] =	dma.local [hbm:s3], $0xF7A  }
0x26: {  	[smem:$0x3F98] =	sst s1;
	(tag) =	ssettag s2;
	_ =	strace s9  }
0x27: {  	s1 =	sld [smem:$0x3FA8]  }
0x28: {  	s2 =	sld [smem:$0x3FA9]  }
0x29: {  	s4 =	sld [smem:$0x3FAB]  }
0x2a: {  	p0 =	seq.s32 s5, $0x0;
	s5 =	sld [smem:$0x3FAC]  }
0x2b: {  	s6 =	sld [smem:$0x3FAD]  }
0x2c: {  	s7 =	sld [smem:$0x3FAE]  }
0x2d: {  	s3 =	simm.s32 $0x108;
	s8 =	sld [smem:$0x3FAF]  }
0x2e: {  	s3 =	simm.s32 @!p0 $0x1082;
	s9 =	sld [smem:$0x3FB0]  }
0x2f: {  	lr =	sadd.s32 s0, s3;
	s0 =	sld [smem:$0x3FA7]  }
0x30: {  	s3 =	sld [smem:$0x3FAA]  }
0x31: {  	[smem:$0x3FB3] =	sst s10  }
0x32: {  	s10 =	sld [smem:$0x3FB1];
	_ =	sdelay $0x3  }
0x33: {  	p0 =	seq.s32 s10, $0x1;
	s10 =	sld [smem:$0x3FB3];
	_ =	sdelay $0x3  }
0x34: {  	[smem:$0x3FB3] =	sst s10  }
0x35: {  	s10 =	sld [smem:$0x3FB2];
	_ =	sdelay $0x3  }
0x36: {  	p1 =	seq.s32 s10, $0x1;
	s10 =	sld [smem:$0x3FB3];
	_ =	sdelay $0x3  }
0x37: {  	[smem:$0x3FB3] =	sst s10  }
0x38: {  	s10 =	sld [smem:$0x3FB4]  }
0x39: {  	_ = 	snop;
	(pc) =	sbr.ind lr, $3  }
0x3a: {  	_ = 	snop  }
0x3b: {  	_ = 	snop  }
0x3c: {  	p2 =	seq.s32 s10, $0x1;
	s10 =	sld [smem:$0x3FB3]  }
0x3d: {  	_ =	shalt  }
0x3e: {  	_ =	shalt  }
0x3f: {  	_ =	shalt  }
0x40: {  	_ =	shalt  }
0x41: {  	_ =	shalt  }
0x42: {  	_ =	shalt  }
0x43: {  	_ =	shalt  }
0x44: {  	_ =	shalt  }
0x45: {  	_ =	shalt  }
0x46: {  	_ =	shalt  }
0x47: {  	_ =	shalt  }
0x48: {  	_ =	shalt  }
0x49: {  	_ =	shalt  }
0x4a: {  	_ =	shalt  }
0x4b: {  	_ =	shalt  }
0x4c: {  	_ =	shalt  }
0x4d: {  	_ =	shalt  }
0x4e: {  	_ =	shalt  }
0x4f: {  	_ =	shalt  }
0x50: {  	_ =	shalt  }
0x51: {  	_ =	shalt  }
0x52: {  	_ =	shalt  }
0x53: {  	_ =	shalt  }
0x54: {  	_ =	shalt  }
0x55: {  	_ =	shalt  }
0x56: {  	_ =	shalt  }
0x57: {  	_ =	shalt  }
0x58: {  	_ =	shalt  }
0x59: {  	_ =	shalt  }
0x5a: {  	_ =	shalt  }
0x5b: {  	_ =	shalt  }
0x5c: {  	_ =	shalt  }
0x5d: {  	_ =	shalt  }
0x5e: {  	_ =	shalt  }
0x5f: {  	_ =	shalt  }
0x60: {  	_ =	shalt  }
0x61: {  	_ =	shalt  }
0x62: {  	_ =	shalt  }
0x63: {  	_ =	shalt  }
0x64: {  	_ =	shalt  }
0x65: {  	_ =	shalt  }
0x66: {  	_ =	shalt  }
0x67: {  	_ =	shalt  }
0x68: {  	_ =	shalt  }
0x69: {  	_ =	shalt  }
0x6a: {  	_ =	shalt  }
0x6b: {  	_ =	shalt  }
0x6c: {  	_ =	shalt  }
0x6d: {  	_ =	shalt  }
0x6e: {  	_ =	shalt  }
0x6f: {  	_ =	shalt  }
0x70: {  	_ =	shalt  }
0x71: {  	_ =	shalt  }
0x72: {  	_ =	shalt  }
0x73: {  	_ =	shalt  }
0x74: {  	_ =	shalt  }
0x75: {  	_ =	shalt  }
0x76: {  	_ =	shalt  }
0x77: {  	_ =	shalt  }
0x78: {  	_ =	shalt  }
0x79: {  	_ =	shalt  }
0x7a: {  	_ =	shalt  }
0x7b: {  	_ =	shalt  }
0x7c: {  	_ =	shalt  }
0x7d: {  	_ =	shalt  }
0x7e: {  	_ =	shalt  }
0x7f: {  	_ =	shalt  }
0x80: {  	_ =	shalt  }
0x81: {  	_ =	shalt  }
0x82: {  	_ =	shalt  }
0x83: {  	_ =	shalt  }
0x84: {  	_ =	shalt  }
0x85: {  	_ =	shalt  }
0x86: {  	_ =	shalt  }
0x87: {  	_ =	shalt  }
.Lfunc_end0:
.L_simem_size_0:
called_computation_lowered:
.L_overlay_start_0:
0x88: {  	s2 =	sld [smem:$0x3FD9]  }
0x89: {  	s3 =	sld [smem:$0x3FFE];
	_ =	sdelay $0x1  }
0x8a: {  	s1 =	srdreg.scid  }
0x8b: {  	s0 =	sand.u32 $0x1, s1  }
0x8c: {  	s17 =	sshll.u32 s0, $0xA;
	s2 =	sadd.s32 s3, s2  }
0x8d: {  	s2 =	sadd.s32 s2, s17  }
0x8e: {  	[smem:$0x3FBF] =	sst s2  }
0x8f: {  	_ = 	snop  }
0x90: {  	s2 =	sld [smem:$0x3FD0];
	(tm) =	ssettm $0x1  }
0x91: {  	s18 =	sld [smem:$0x3FFB];
	_ =	sdelay $0x3  }
0x92: {  	_ =	strace s18  }
0x93: {  	s3 =	sld [smem:$0x3FFC];
	_ =	sdelay $0x3  }
0x94: {  	_ =	strace s3  }
0x95: {  	s3 =	sld [smem:$0x3FFD];
	_ =	sdelay $0x3  }
0x96: {  	_ =	strace s3  }
0x97: {  	_ =	strace $0x8FFFFFFF  }
0x98: {  	s19 =	sld [smem:$0x3FDB];
	_ =	sdelay $0x1  }
0x99: {  	s4 =	simm.s32 $_scs_section_size  }
0x9a: {  	s5 =	simm.s32 $_size__tile_overlayer_lowered;
	s6 =	simm.s32 $_tile_overlayer_lowered  }
0x9b: {  	s22 =	simm.s32 $0x1BFF;
	s21 =	sshll.u32 s6, $0x1;
	s3 =	sadd.s32 s4, s19  }
0x9c: {  	s7 =	simm.s32 $0x0;
	s20 =	sshll.u32 s5, $0x1;
	s5 =	sadd.s32 s21, s3  }
0x9d: {  	[timem:s7], [sflag:s22] =	dma.local [hbm:s5], s20  }
0x9e: {  	_ =	swait.ge [sflag:s22], s20  }
0x9f: {  	s4 =	ssub.s32 $0x0, s20;
	[sflag:s22] =	ssyncset.done $0x0  }
0xa0: {  	[sflag:s22] =	ssyncadd.s32 s4;
	_ =	sdelay $0x1  }
0xa1: {  	s23 =	simm.s32 $0x1B8B  }
0xa2: {  	_ =	swait.ge [sflag:s23], $0x1  }
0xa3: {  	[sflag:s23] =	ssyncset.done $0x0  }
0xa4: {  	s25 =	simm.s32 $0x1B8E;
	s24 =	sld [smem:$0x3FFE];
	[sflag:s23] =	ssyncadd.s32 $0xFFFFFFFF  }
0xa5: {  	s26 =	simm.s32 $execute0_lowered;
	[smem:$0x3FD2] =	sst s25  }
0xa6: {  	s5 =	sshll.u32 s26, $0x1;
	_ =	strace $0x80000046;
	[dreg:$0x1] =	wrdreg $0xFFFFFFFF  }
0xa7: {  	s28 =	simm.s32 $_size_execute0_lowered;
	s3 =	sadd.s32 s3, s5;
	[dreg:$0x0] =	wrdreg $0x0  }
0xa8: {  	s5 =	sshll.u32 s28, $0x1;
	[dreg:$0x2] =	wrdreg s3  }
0xa9: {  	[dreg:$0x3] =	wrdreg s5  }
0xaa: {  	[dreg:$0x4] =	wrdreg $0xC0  }
0xab: {  	_ =	task [dreg:s7], $0x5FFFF  }
0xac: {  	[dreg:$0x1] =	wrdreg $0xFFFFFFFF  }
0xad: {  	[dreg:$0x0] =	wrdreg $0x60  }
0xae: {  	[dreg:$0x2] =	wrdreg s24  }
0xaf: {  	[dreg:$0x3] =	wrdreg s2  }
0xb0: {  	[dreg:$0x4] =	wrdreg $0x9  }
0xb1: {  	_ =	task.clear_ibuf [dreg:s7], $0x5FFFF;
	_ =	strace $0x90000046  }
0xb2: {  	s29 =	simm.s32 $0x9;
	_ =	strace $0x80000048  }
0xb3: {  	_ =	swait.ge [sflag:s29], $0x1  }
0xb4: {  	[sflag:s29] =	ssyncadd.s32 $0xFFFFFFFF  }
0xb5: {  	_ =	strace $0x90000048  }
0xb6: {  	_ =	sfence  }
0xb7: {  	s30 =	sld [smem:$0x0];
	_ =	sdelay $0x2  }
0xb8: {  	s31 =	sshll.u32 s1, $0xD;
	s1 =	sshrl.u32 s1, $0x2  }
0xb9: {  	s3 =	sand.u32 $0x4000, s31;
	s1 =	sadd.s32 s1, s30  }
0xba: {  	s0 =	sor.u32 s3, s0;
	s1 =	sshll.u32 s1, $0x11  }
0xbb: {  	s0 =	sor.u32 s1, s0  }
0xbc: {  	s0 =	sadd.s32 $0x8F2B, s0  }
0xbd: {  	[sflag:s0] =	ssyncadd.remote.s32 $0x1  }
0xbe: {  	_ =	sfence.sel $0xFFFF  }
0xbf: {  	[dreg:$0x0] =	wrdreg $0xFFFFFFFF;
	(pc) =	sbr.abs _section_cstart, $3  }
0xc0: {  	[dreg:$0x1] =	wrdreg $0xFFFFFFFF  }
0xc1: {  	_ =	task.clear_ibuf [dreg:s7], $0x2FFFF;
	_ =	strace $0x9FFFFFFF  }
0xc2: {  	(tm) =	ssettm $0x7FFFFFFF  }
0xc3: {  	_ =	shalt  }
tec
execute0_lowered:
.L_overlay_start_1:
0x0: {  	(tag) =	ssettag $0x1  }
0x1: {  	s3 =	rddreg [dreg:$0x0]  }
0x2: {  	s4 =	rddreg [dreg:$0x1]  }
0x3: {  	s0 =	rddreg [dreg:$0x2];
	s5 =	srdreg.scid  }
0x4: {  	s2 =	simm.s32 $0x0;
	s1 =	stileid.u32;
	s8 =	simm.s32 $0x1  }
0x5: {  	s9 =	simm.s32 $0x2000;
	s10 =	simm.s32 $0x0;
	s5 =	sand.u32 $0x1, s5  }
0x6: {  	[smem:$0x7FF] =	sst s2;
	s6 =	sshll.u32 s1, $0xA;
	s7 =	sshll.u32 s5, $0x9  }
0x7: {  	_ =	strace $0x80000047;
	s5 =	ssub.s32 $0x2, s5;
	s6 =	sor.u32 s7, s6  }
0x8: {  	s31 =	sshrl.u32 s5, $0x1;
	s7 =	simm.s32 $0x20000;
	s3 =	sadd.s32 s6, s3  }
0x9: {  	s6 =	sshrl.u32 s6, $0x3;
	s5 =	ssub.s32 s5, s31;
	s3 =	sadd.s32 $0x1000, s3  }
0xa: {  	v0 =	vimm.s32 $0x1;
	v1 =	vimm.s32 $0x6;
	s4 =	sadd.s32 s4, s6;
	s5 =	smax.u32 s5, $0x1;
	s6 =	simm.s32 $0x1000  }
.LBB2_1:
0xb: {  	[tilespmem:s2], [sflag:$0x1] =	stream.strided.gather [hbm4b:s3+s6], $0x2000, s7, s6, $0x38;
	[tilespmem:$0x2200] =	vst v63  }
0xc: {  	_ =	swait.ge [sflag:s8], $0x2000  }
0xd: {  	s11 =	sand.u32 $0x70, s2;
	s12 =	sand.u32 $0xC00, s2;
	[sflag:s8] =	ssyncset.done $0x0  }
0xe: {  	s11 =	sor.u32 s11, s12;
	[sflag:s8] =	ssyncadd.s32 $0xFFFFE000  }
0xf: {  	v2 =	vld [tilespmem:s11+$0x300]  }
0x10: {  	v3 =	vld [tilespmem:s11+$0x280]  }
0x11: {  	v4 =	vld [tilespmem:s11+$0x380]  }
0x12: {  	v5 =	vld [tilespmem:s11+$0x1280]  }
0x13: {  	v6 =	vld [tilespmem:s11+$0x1000]  }
0x14: {  	v7 =	vld [tilespmem:s11+$0x1300]  }
0x15: {  	v8 =	vld [tilespmem:s11+$0x180];
	vm0 =	vgt.f32 v2, v3  }
0x16: {  	v2 =	vsel vm0, v2, v3;
	v3 =	vld [tilespmem:s11+$0x1080]  }
0x17: {  	v59 =	vld [tilespmem:s11+$0x1100];
	vm1 =	vgt.f32 v4, v2  }
0x18: {  	v9 =	vld [tilespmem:s11+$0x100];
	v2 =	vsel vm1, v4, v2  }
0x19: {  	vm2 =	vgt.f32 v6, v2  }
0x1a: {  	v60 =	vld [tilespmem:s11+$0x1180];
	v2 =	vsel vm2, v6, v2  }
0x1b: {  	v10 =	vld [tilespmem:s11+$0x200];
	vm3 =	vgt.f32 v3, v2  }
0x1c: {  	vm4 =	vge.f32 v5, v7;
	v61 =	vsel vm0, $0x2, v0;
	v2 =	vsel vm3, v3, v2;
	v3 =	vld [tilespmem:s11+$0x1200]  }
0x1d: {  	vm9 =	vgt.f32 v8, v9;
	v5 =	vsel vm1, $0x3, v61;
	vm8 =	vgt.f32 v59, v2  }
0x1e: {  	v11 =	vld [tilespmem:s11+$0x0];
	v7 =	vsel vm4, $0x4, v1;
	v62 =	vsel vm2, $0x4, v5;
	v2 =	vsel vm8, v59, v2  }
0x1f: {  	v63 =	vld [tilespmem:s11+$0x80];
	v8 =	vsel vm9, v8, v9;
	v4 =	vsel vm3, $0x5, v62;
	vm10 =	vgt.f32 v60, v2  }
0x20: {  	vm11 =	vgt.f32 v10, v8;
	v4 =	vsel vm8, $0x6, v4;
	v2 =	vsel vm10, v60, v2  }
0x21: {  	vm12 =	vmneg vm11;
	vm13 =	vgt.f32 v3, v2;
	v2 =	vsel vm10, $0x7, v4  }
0x22: {  	vm14 =	vmneg vm9;
	vm1 =	vmand vm9, vm12;
	v2 =	vsel vm13, $0x8, v2  }
0x23: {  	vm0 =	vmand vm12, vm14;
	v2 =	vsel vm1, v2, v7  }
0x24: {  	s31 =	simm.s32 $0x10;
	s12 =	simm.s32 $0x80;
	vm15 =	vgt.f32 v63, v11;
	v2 =	vsel vm0, $0x3, v2  }
0x25: {  	s13 =	sand.u32 $0xC00, s12;
	s11 =	sand.u32 $0x70, s31;
	v2 =	vnsel vm15, $0x0, v2  }
0x26: {  	s14 =	simm.s32 $0x20;
	s13 =	sor.u32 s11, s13;
	s11 =	simm.s32 $0x2000;
	[tilespmem:s9+$0x0] =	vst v2  }
.LBB2_2:
0x27: {  	p0 =	sne.s32 s14, $0x1F0;
	v2 =	vld [tilespmem:s13+$0x300]  }
0x28: {  	v3 =	vld [tilespmem:s13+$0x280];
	_ =	sdelay $0x1  }
0x29: {  	v4 =	vld [tilespmem:s13+$0x380]  }
0x2a: {  	v5 =	vld [tilespmem:s13+$0x1280]  }
0x2b: {  	v6 =	vld [tilespmem:s13+$0x1000]  }
0x2c: {  	vm0 =	vgt.f32 v2, v3;
	v7 =	vld [tilespmem:s13+$0x1300]  }
0x2d: {  	v2 =	vsel vm0, v2, v3;
	v3 =	vld [tilespmem:s13+$0x1080]  }
0x2e: {  	v8 =	vld [tilespmem:s13+$0x180];
	vm1 =	vgt.f32 v4, v2  }
0x2f: {  	v2 =	vsel vm1, v4, v2;
	v4 =	vld [tilespmem:s13+$0x1100]  }
0x30: {  	v9 =	vld [tilespmem:s13+$0x100];
	vm2 =	vgt.f32 v6, v2  }
0x31: {  	v2 =	vsel vm2, v6, v2;
	v6 =	vld [tilespmem:s13+$0x1180]  }
0x32: {  	v10 =	vld [tilespmem:s13+$0x200];
	vm3 =	vgt.f32 v3, v2  }
0x33: {  	vm4 =	vge.f32 v5, v7;
	v5 =	vsel vm0, $0x2, v0;
	v2 =	vsel vm3, v3, v2;
	v3 =	vld [tilespmem:s13+$0x1200]  }
0x34: {  	v5 =	vsel vm1, $0x3, v5;
	v7 =	vsel vm4, $0x4, v1;
	vm0 =	vgt.f32 v4, v2  }
0x35: {  	v11 =	vld [tilespmem:s13+$0x0];
	vm1 =	vgt.f32 v8, v9;
	v2 =	vsel vm0, v4, v2;
	v4 =	vsel vm2, $0x4, v5  }
0x36: {  	v5 =	vld [tilespmem:s13+$0x80];
	v8 =	vsel vm1, v8, v9;
	vm2 =	vgt.f32 v6, v2;
	v4 =	vsel vm3, $0x5, v4  }
0x37: {  	vm3 =	vgt.f32 v10, v8;
	v2 =	vsel vm2, v6, v2;
	v4 =	vsel vm0, $0x6, v4  }
0x38: {  	vm0 =	vmneg vm3;
	vm3 =	vgt.f32 v3, v2;
	v2 =	vsel vm2, $0x7, v4  }
.Ltmp0:
0x39: {  	vm2 =	vmneg vm1;
	vm1 =	vmand vm1, vm0;
	v2 =	vsel vm3, $0x8, v2;
	(pc) =	sbr.rel @p0 .LBB2_2-.Ltmp0, $4  }
0x3a: {  	vm0 =	vmand vm0, vm2;
	v2 =	vsel vm1, v2, v7  }
0x3b: {  	s12 =	sadd.s32 $0x80, s12;
	vm1 =	vgt.f32 v5, v11;
	v2 =	vsel vm0, $0x3, v2  }
0x3c: {  	s11 =	sadd.s32 $0x10, s11;
	s15 =	sand.u32 $0xC00, s12;
	s13 =	sand.u32 $0x70, s14;
	v2 =	vnsel vm1, $0x0, v2  }
0x3d: {  	s14 =	sadd.s32 $0x10, s14;
	s13 =	sor.u32 s13, s15;
	[tilespmem:s11+$0x0] =	vst v2  }
0x3e: {  	v2 =	vld [tilespmem:s13+$0x300]  }
0x3f: {  	v3 =	vld [tilespmem:s13+$0x280]  }
0x40: {  	v4 =	vld [tilespmem:s13+$0x380]  }
0x41: {  	v5 =	vld [tilespmem:s13+$0x1280]  }
0x42: {  	v6 =	vld [tilespmem:s13+$0x1000]  }
0x43: {  	v7 =	vld [tilespmem:s13+$0x1300]  }
0x44: {  	v8 =	vld [tilespmem:s13+$0x180];
	vm0 =	vgt.f32 v2, v3  }
0x45: {  	v2 =	vsel vm0, v2, v3;
	v3 =	vld [tilespmem:s13+$0x1080]  }
0x46: {  	v59 =	vld [tilespmem:s13+$0x1100];
	vm1 =	vgt.f32 v4, v2  }
0x47: {  	v9 =	vld [tilespmem:s13+$0x100];
	v2 =	vsel vm1, v4, v2  }
0x48: {  	vm2 =	vgt.f32 v6, v2  }
0x49: {  	v60 =	vld [tilespmem:s13+$0x1180];
	v2 =	vsel vm2, v6, v2  }
0x4a: {  	v10 =	vld [tilespmem:s13+$0x200];
	vm3 =	vgt.f32 v3, v2  }
0x4b: {  	vm4 =	vge.f32 v5, v7;
	v61 =	vsel vm0, $0x2, v0;
	v2 =	vsel vm3, v3, v2;
	v3 =	vld [tilespmem:s13+$0x1200]  }
0x4c: {  	vm9 =	vgt.f32 v8, v9;
	v5 =	vsel vm1, $0x3, v61;
	vm8 =	vgt.f32 v59, v2  }
0x4d: {  	v11 =	vld [tilespmem:s13+$0x0];
	v7 =	vsel vm4, $0x4, v1;
	v62 =	vsel vm2, $0x4, v5;
	v2 =	vsel vm8, v59, v2  }
0x4e: {  	v63 =	vld [tilespmem:s13+$0x80];
	v8 =	vsel vm9, v8, v9;
	v4 =	vsel vm3, $0x5, v62;
	vm10 =	vgt.f32 v60, v2  }
0x4f: {  	vm11 =	vgt.f32 v10, v8;
	v4 =	vsel vm8, $0x6, v4;
	v2 =	vsel vm10, v60, v2  }
0x50: {  	vm12 =	vmneg vm11;
	vm13 =	vgt.f32 v3, v2;
	v2 =	vsel vm10, $0x7, v4  }
0x51: {  	vm14 =	vmneg vm9;
	vm1 =	vmand vm9, vm12;
	v2 =	vsel vm13, $0x8, v2  }
0x52: {  	vm0 =	vmand vm12, vm14;
	v2 =	vsel vm1, v2, v7  }
0x53: {  	s10 =	sadd.s32 $0x1, s10;
	vm15 =	vgt.f32 v63, v11;
	v2 =	vsel vm0, $0x3, v2  }
0x54: {  	s11 =	sadd.s32 $0x10, s11;
	p0 =	sne.s32 s10, s5;
	v2 =	vnsel vm15, $0x0, v2  }
.Ltmp1:
0x55: {  	[tilespmem:s11+$0x0] =	vst v2;
	(pc) =	sbr.rel @p0 .LBB2_1-.Ltmp1, $4  }
0x56: {  	[hbm4b:s4+s2] =	stream.linear.scatter [tilespmem:s9], [sflag:$0x1], $0x200, $0x38;
	[tilespmem:$0x2200] =	vst v63  }
0x57: {  	_ =	swait.ge [sflag:s8], $0x200  }
0x58: {  	[sflag:s8] =	ssyncset.done $0x0  }
0x59: {  	[sflag:s8] =	ssyncadd.s32 $0xFFFFFE00  }
0x5a: {  	_ =	sfence.sel $0x180000  }
0x5b: {  	[bflag:$0x0] =	sbarrier.arrive $0xFFFF  }
0x5c: {  	p0 =	sne.s32 s1, $0x0;
	_ =	strace $0x90000047  }
0x5d: {  	s0 =	sadd.s32 @!p0 $0x100000, s0;
	[bflag:$0x2] =	sbarrier.arrive $0xFFFF  }
0x5e: {  	[sflag:s0] =	ssyncadd.tile.s32 @!p0 $0x1;
	_ =	shalt  }
.Lfunc_end2:
_tile_overlayer_lowered:
.L_overlay_start_2:
0x5f: {  	(tag) =	ssettag $0x2  }
0x60: {  	s0 =	rddreg [dreg:$0x0];
	s2 =	stileid.u32  }
0x61: {  	s1 =	rddreg [dreg:$0x1];
	p0 =	sne.s32 s2, $0x0  }
0x62: {  	s3 =	rddreg [dreg:$0x2];
	[bflag:$0x3] =	sbarrier.arrive $0xFFFF;
	s2 =	simm.s32 @!p0 $0x1C01  }
0x63: {  	[timem:s3], [sflag:s2] =	dma.local @!p0 [hbm:s0], s1  }
0x64: {  	s0 =	simm.s32 @!p0 $0x1  }
0x65: {  	_ =	swait.ge @!p0 [sflag:s0], s1  }
0x66: {  	s1 =	ssub.s32 @!p0 $0x0, s1;
	[sflag:s0] =	ssyncset.done @!p0 $0x0  }
0x67: {  	[sflag:s0] =	ssyncadd.s32 @!p0 s1  }
0x68: {  	[bflag:$0x3] =	sbarrier.arrive $0xFFFF  }
0x69: {  	_ =	shalt  }

</sc_bundles>
